<compile_context>
chip_gen: v7x
topology: tpu7x:2x2x1
jax: 0.10.2.dev20260603
libtpu: 0.0.44.dev20260713+nightly
codegen_flags: <defaults>
</compile_context>

<pallas_src>
import functools

import jax
import jax.numpy as jnp
from jax import lax
from jax.experimental import pallas as pl
from jax.experimental.pallas import tpu as pltpu
from jax.experimental.pallas import tpu_sc as plsc

B = 16384
DIM = 32
RAW_DIM = 96
OUT_DIM = 64
NC = 2
NS = 16
NW = NC * NS
BPW = B // NW

BV = 32768


def _tc_pack(pt):
    v = pt.shape[1]
    nblk = (v + BV - 1) // BV

    def body(x_ref, o_ref, xt_ref):
        xt_ref[...] = x_ref[...].T
        for s in range(4):
            o_ref[:, s * DIM : (s + 1) * DIM] = xt_ref[s :: 4, :]

    return pl.pallas_call(
        body,
        grid=(nblk,),
        in_specs=[pl.BlockSpec((DIM, BV), lambda i: (0, i))],
        out_specs=pl.BlockSpec((BV // 4, 4 * DIM), lambda i: (i, 0)),
        out_shape=jax.ShapeDtypeStruct((v // 4, 4 * DIM), jnp.float32),
        scratch_shapes=[pltpu.VMEM((BV, DIM), jnp.float32)],
        compiler_params=pltpu.CompilerParams(
            dimension_semantics=("parallel",)
        ),
    )(pt)


def _sc_gather3(i4_cat, i4_brand, i4_store, p_cat, p_brand, p_store):
    mesh = plsc.VectorSubcoreMesh(core_axis_name="c", subcore_axis_name="s")

    @functools.partial(
        pl.kernel,
        mesh=mesh,
        out_type=jax.ShapeDtypeStruct((B, 3 * 4 * DIM), jnp.float32),
        scratch_types=[
            pltpu.VMEM((BPW,), jnp.int32),
            pltpu.VMEM((BPW, 4 * DIM), jnp.float32),
            pltpu.SemaphoreType.DMA,
        ],
    )
    def k(ci, bi, si, pc, pb, ps, xo, idx_v, rows_v, sem):
        wid = lax.axis_index("s") * NC + lax.axis_index("c")
        base = wid * BPW
        for t, (i_hbm, t_hbm) in enumerate(
            ((ci, pc), (bi, pb), (si, ps))
        ):
            pltpu.sync_copy(i_hbm.at[pl.ds(base, BPW)], idx_v)
            pltpu.async_copy(t_hbm.at[idx_v], rows_v, sem).wait()
            pltpu.sync_copy(
                rows_v, xo.at[pl.ds(base, BPW), pl.ds(t * 4 * DIM, 4 * DIM)]
            )

    return k(i4_cat, i4_brand, i4_store, p_cat, p_brand, p_store)


BM = 2048


def _tc_project(x, offs, Wt, b2):
    lane_group = 4 * DIM

    def body(x_ref, o_ref, w_ref, bias_ref, out_ref):
        sel = []
        for t in range(3):
            off = jnp.broadcast_to(o_ref[:, t : t + 1], (BM, lane_group))
            grp = lax.broadcasted_iota(jnp.int32, (BM, lane_group), 1) // DIM
            xm = jnp.where(
                grp == off, x_ref[:, t * lane_group : (t + 1) * lane_group], 0.0
            )
            sel.append(
                xm[:, 0:DIM]
                + xm[:, DIM : 2 * DIM]
                + xm[:, 2 * DIM : 3 * DIM]
                + xm[:, 3 * DIM : 4 * DIM]
            )
        xs = jnp.concatenate(sel, axis=1)
        y = jnp.dot(xs, w_ref[...], preferred_element_type=jnp.float32)
        out_ref[...] = jnp.maximum(y + bias_ref[...], 0.0)

    return pl.pallas_call(
        body,
        grid=(B // BM,),
        in_specs=[
            pl.BlockSpec((BM, 3 * 4 * DIM), lambda i: (i, 0)),
            pl.BlockSpec((BM, 4), lambda i: (i, 0)),
            pl.BlockSpec((RAW_DIM, OUT_DIM), lambda i: (0, 0)),
            pl.BlockSpec((1, OUT_DIM), lambda i: (0, 0)),
        ],
        out_specs=pl.BlockSpec((BM, OUT_DIM), lambda i: (i, 0)),
        out_shape=jax.ShapeDtypeStruct((B, OUT_DIM), jnp.float32),
        compiler_params=pltpu.CompilerParams(
            dimension_semantics=("parallel",)
        ),
    )(x, offs, Wt, b2)


def kernel(category, brand, store, emb_category, emb_brand, emb_store, W, b):
    ci = category.astype(jnp.int32)
    bi = brand.astype(jnp.int32)
    si = store.astype(jnp.int32)
    p_cat = _tc_pack(emb_category.T)
    p_brand = emb_brand.reshape(-1, 4 * DIM)
    p_store = emb_store.reshape(-1, 4 * DIM)
    x = _sc_gather3(ci >> 2, bi >> 2, si >> 2, p_cat, p_brand, p_store)
    offs = jnp.stack([ci & 3, bi & 3, si & 3, jnp.zeros_like(ci)], axis=1)
    Wt = W.T
    b2 = b.reshape(1, OUT_DIM)
    return _tc_project(x, offs, Wt, b2)

# --- scband reference (transcript-rebuilt; emitter-appended) ---
"""Pipeline reference for scband-taxonomy-encoder-39436389712069 (READ-ONLY COPY).

The authoritative reference and input builder live on the scoring server;
editing this copy changes nothing except your own understanding.
"""

import jax, jax.numpy as jnp
import numpy as np

B = 16384
VOCAB = {"category": 1000000, "brand": 100000, "store": 100000}
DIM = 32
RAW_DIM = 96
OUT_DIM = 64


def setup_inputs(seed: int = 0) -> dict:
    key = jax.random.key(seed)
    ks = jax.random.split(key, 8)
    category = jax.random.randint(ks[0], (B,), 0, VOCAB["category"])
    brand = jax.random.randint(ks[1], (B,), 0, VOCAB["brand"])
    store = jax.random.randint(ks[2], (B,), 0, VOCAB["store"])
    emb_category = jax.random.normal(ks[3], (VOCAB["category"], DIM), dtype=jnp.float32) * 0.02
    emb_brand = jax.random.normal(ks[4], (VOCAB["brand"], DIM), dtype=jnp.float32) * 0.02
    emb_store = jax.random.normal(ks[5], (VOCAB["store"], DIM), dtype=jnp.float32) * 0.02
    # torch nn.Linear weight shape: (out_features, in_features)
    W = jax.random.normal(ks[6], (OUT_DIM, RAW_DIM), dtype=jnp.float32) * (1.0 / np.sqrt(RAW_DIM))
    b = jax.random.normal(ks[7], (OUT_DIM,), dtype=jnp.float32) * 0.01
    return {"category": category, "brand": brand, "store": store,
            "emb_category": emb_category, "emb_brand": emb_brand, "emb_store": emb_store,
            "W": W, "b": b}


def reference(category, brand, store, emb_category, emb_brand, emb_store, W, b):
    # per-column embedding lookup (gather), same iteration order as ModuleDict
    e_cat = jnp.take(emb_category, category, axis=0)
    e_brand = jnp.take(emb_brand, brand, axis=0)
    e_store = jnp.take(emb_store, store, axis=0)
    concatenated = jnp.concatenate([e_cat, e_brand, e_store], axis=-1)
    # projection: Linear -> ReLU -> Dropout(eval mode = identity)
    out = jnp.maximum(concatenated @ W.T + b, 0.0)
    return out

if __name__ == "__main__":
    import jax
    _d = setup_inputs()
    print(jax.jit(kernel)(*tuple(_d.values())))

</pallas_src>

<mosaic_0001>
#map = affine_map<(d0, d1) -> (0)>
#map1 = affine_map<(d0, d1) -> (0, 0)>
module attributes {stable_mosaic.version = 14 : i64} {
  func.func @k(%arg0: i32, %arg1: i32, %arg2: memref<16384xi32, #tpu.memory_space<hbm>>, %arg3: memref<16384xi32, #tpu.memory_space<hbm>>, %arg4: memref<16384xi32, #tpu.memory_space<hbm>>, %arg5: memref<250000x128xf32, #tpu.memory_space<hbm>>, %arg6: memref<25000x128xf32, #tpu.memory_space<hbm>>, %arg7: memref<25000x128xf32, #tpu.memory_space<hbm>>, %arg8: memref<16384x384xf32, #tpu.memory_space<hbm>>, %arg9: memref<512xi32, #tpu.memory_space<vmem>>, %arg10: memref<512x128xf32, #tpu.memory_space<vmem>>, %arg11: memref<!tpu.dma_semaphore, #tpu.memory_space<semaphore_mem>>) attributes {dimension_semantics = [#tpu.dimension_semantics<core_parallel>, #tpu.dimension_semantics<subcore_parallel>], iteration_bounds = array<i64: 2, 16>, scalar_prefetch = 0 : i64, scratch_operands = 3 : i64, tpu.core_type = #tpu.core_type<sc_vector_subcore>, window_params = [{transform_indices = #map}, {transform_indices = #map}, {transform_indices = #map}, {transform_indices = #map1}, {transform_indices = #map1}, {transform_indices = #map1}, {transform_indices = #map1}]} {
    %mul3A = arith.constant 2 : i32
    %mul3A_0 = arith.muli %arg1, %mul3A : i32
    %add3A = arith.addi %mul3A_0, %arg0 : i32
    %mul3A_1 = arith.constant 512 : i32
    %mul3A_2 = arith.muli %add3A, %mul3A_1 : i32
    "tpu.region"() ({
      %run_scoped3A = tpu.sem_alloc : memref<!tpu.dma_semaphore, #tpu.memory_space<semaphore_mem>>
      %dma_start3A_19 = tpu.memref_slice %arg2[%mul3A_2] : memref<16384xi32, #tpu.memory_space<hbm>> -> memref<512xi32, #tpu.memory_space<hbm>>
      %dma_start3A_20 = tpu.memref_slice %arg2[%mul3A_2] : memref<16384xi32, #tpu.memory_space<hbm>> -> memref<512xi32, #tpu.memory_space<hbm>>
      tpu.enqueue_dma source(%dma_start3A_20 : memref<512xi32, #tpu.memory_space<hbm>>) target(%arg9 : memref<512xi32, #tpu.memory_space<vmem>>) target_semaphore(%run_scoped3A : memref<!tpu.dma_semaphore, #tpu.memory_space<semaphore_mem>>)
      %dma_wait3A_21 = tpu.memref_slice %arg2[%mul3A_2] : memref<16384xi32, #tpu.memory_space<hbm>> -> memref<512xi32, #tpu.memory_space<hbm>>
      %dma_wait3A_22 = tpu.memref_slice %arg2[%mul3A_2] : memref<16384xi32, #tpu.memory_space<hbm>> -> memref<512xi32, #tpu.memory_space<hbm>>
      tpu.wait_dma2 semaphore(%run_scoped3A : memref<!tpu.dma_semaphore, #tpu.memory_space<semaphore_mem>>) src(%dma_wait3A_22 : memref<512xi32, #tpu.memory_space<hbm>>) dst(%arg9 : memref<512xi32, #tpu.memory_space<vmem>>)
      tpu.yield
    }) : () -> ()
    %dma_start3A = arith.constant 0 : i32
    %dma_start3A_3 = arith.constant 0 : i32
    %dma_start3A_4 = tpu.memref_slice %arg5[%dma_start3A, %dma_start3A_3] : memref<250000x128xf32, #tpu.memory_space<hbm>> -> memref<250000x128xf32, #tpu.memory_space<hbm>>
    tpu.enqueue_indirect_dma source(%dma_start3A_4 : memref<250000x128xf32, #tpu.memory_space<hbm>>) target(%arg10 : memref<512x128xf32, #tpu.memory_space<vmem>>) offsets(%arg9 : memref<512xi32, #tpu.memory_space<vmem>>) semaphore(%arg11 : memref<!tpu.dma_semaphore, #tpu.memory_space<semaphore_mem>>)
    %dma_wait3A = arith.constant 0 : i32
    %dma_wait3A_5 = arith.constant 0 : i32
    %dma_wait3A_6 = tpu.memref_slice %arg5[%dma_wait3A, %dma_wait3A_5] : memref<250000x128xf32, #tpu.memory_space<hbm>> -> memref<250000x128xf32, #tpu.memory_space<hbm>>
    tpu.wait_indirect_dma semaphore(%arg11 : memref<!tpu.dma_semaphore, #tpu.memory_space<semaphore_mem>>) src(%dma_wait3A_6 : memref<250000x128xf32, #tpu.memory_space<hbm>>) dst(%arg10 : memref<512x128xf32, #tpu.memory_space<vmem>>)
    "tpu.region"() ({
      %run_scoped3A = tpu.sem_alloc : memref<!tpu.dma_semaphore, #tpu.memory_space<semaphore_mem>>
      %dma_start3A_19 = arith.constant 0 : i32
      %dma_start3A_20 = tpu.memref_slice %arg8[%mul3A_2, %dma_start3A_19] : memref<16384x384xf32, #tpu.memory_space<hbm>> -> memref<512x128xf32, #tpu.memory_space<hbm>>
      %dma_start3A_21 = arith.constant 0 : i32
      %dma_start3A_22 = tpu.memref_slice %arg8[%mul3A_2, %dma_start3A_21] : memref<16384x384xf32, #tpu.memory_space<hbm>> -> memref<512x128xf32, #tpu.memory_space<hbm>>
      tpu.enqueue_dma source(%arg10 : memref<512x128xf32, #tpu.memory_space<vmem>>) target(%dma_start3A_22 : memref<512x128xf32, #tpu.memory_space<hbm>>) target_semaphore(%run_scoped3A : memref<!tpu.dma_semaphore, #tpu.memory_space<semaphore_mem>>)
      %dma_wait3A_23 = arith.constant 0 : i32
      %dma_wait3A_24 = tpu.memref_slice %arg8[%mul3A_2, %dma_wait3A_23] : memref<16384x384xf32, #tpu.memory_space<hbm>> -> memref<512x128xf32, #tpu.memory_space<hbm>>
      %dma_wait3A_25 = arith.constant 0 : i32
      %dma_wait3A_26 = tpu.memref_slice %arg8[%mul3A_2, %dma_wait3A_25] : memref<16384x384xf32, #tpu.memory_space<hbm>> -> memref<512x128xf32, #tpu.memory_space<hbm>>
      tpu.wait_dma2 semaphore(%run_scoped3A : memref<!tpu.dma_semaphore, #tpu.memory_space<semaphore_mem>>) src(%arg10 : memref<512x128xf32, #tpu.memory_space<vmem>>) dst(%dma_wait3A_26 : memref<512x128xf32, #tpu.memory_space<hbm>>)
      tpu.yield
    }) : () -> ()
    "tpu.region"() ({
      %run_scoped3A = tpu.sem_alloc : memref<!tpu.dma_semaphore, #tpu.memory_space<semaphore_mem>>
      %dma_start3A_19 = tpu.memref_slice %arg3[%mul3A_2] : memref<16384xi32, #tpu.memory_space<hbm>> -> memref<512xi32, #tpu.memory_space<hbm>>
      %dma_start3A_20 = tpu.memref_slice %arg3[%mul3A_2] : memref<16384xi32, #tpu.memory_space<hbm>> -> memref<512xi32, #tpu.memory_space<hbm>>
      tpu.enqueue_dma source(%dma_start3A_20 : memref<512xi32, #tpu.memory_space<hbm>>) target(%arg9 : memref<512xi32, #tpu.memory_space<vmem>>) target_semaphore(%run_scoped3A : memref<!tpu.dma_semaphore, #tpu.memory_space<semaphore_mem>>)
      %dma_wait3A_21 = tpu.memref_slice %arg3[%mul3A_2] : memref<16384xi32, #tpu.memory_space<hbm>> -> memref<512xi32, #tpu.memory_space<hbm>>
      %dma_wait3A_22 = tpu.memref_slice %arg3[%mul3A_2] : memref<16384xi32, #tpu.memory_space<hbm>> -> memref<512xi32, #tpu.memory_space<hbm>>
      tpu.wait_dma2 semaphore(%run_scoped3A : memref<!tpu.dma_semaphore, #tpu.memory_space<semaphore_mem>>) src(%dma_wait3A_22 : memref<512xi32, #tpu.memory_space<hbm>>) dst(%arg9 : memref<512xi32, #tpu.memory_space<vmem>>)
      tpu.yield
    }) : () -> ()
    %dma_start3A_7 = arith.constant 0 : i32
    %dma_start3A_8 = arith.constant 0 : i32
    %dma_start3A_9 = tpu.memref_slice %arg6[%dma_start3A_7, %dma_start3A_8] : memref<25000x128xf32, #tpu.memory_space<hbm>> -> memref<25000x128xf32, #tpu.memory_space<hbm>>
    tpu.enqueue_indirect_dma source(%dma_start3A_9 : memref<25000x128xf32, #tpu.memory_space<hbm>>) target(%arg10 : memref<512x128xf32, #tpu.memory_space<vmem>>) offsets(%arg9 : memref<512xi32, #tpu.memory_space<vmem>>) semaphore(%arg11 : memref<!tpu.dma_semaphore, #tpu.memory_space<semaphore_mem>>)
    %dma_wait3A_10 = arith.constant 0 : i32
    %dma_wait3A_11 = arith.constant 0 : i32
    %dma_wait3A_12 = tpu.memref_slice %arg6[%dma_wait3A_10, %dma_wait3A_11] : memref<25000x128xf32, #tpu.memory_space<hbm>> -> memref<25000x128xf32, #tpu.memory_space<hbm>>
    tpu.wait_indirect_dma semaphore(%arg11 : memref<!tpu.dma_semaphore, #tpu.memory_space<semaphore_mem>>) src(%dma_wait3A_12 : memref<25000x128xf32, #tpu.memory_space<hbm>>) dst(%arg10 : memref<512x128xf32, #tpu.memory_space<vmem>>)
    "tpu.region"() ({
      %run_scoped3A = tpu.sem_alloc : memref<!tpu.dma_semaphore, #tpu.memory_space<semaphore_mem>>
      %dma_start3A_19 = arith.constant 128 : i32
      %dma_start3A_20 = tpu.memref_slice %arg8[%mul3A_2, %dma_start3A_19] : memref<16384x384xf32, #tpu.memory_space<hbm>> -> memref<512x128xf32, #tpu.memory_space<hbm>>
      %dma_start3A_21 = arith.constant 128 : i32
      %dma_start3A_22 = tpu.memref_slice %arg8[%mul3A_2, %dma_start3A_21] : memref<16384x384xf32, #tpu.memory_space<hbm>> -> memref<512x128xf32, #tpu.memory_space<hbm>>
      tpu.enqueue_dma source(%arg10 : memref<512x128xf32, #tpu.memory_space<vmem>>) target(%dma_start3A_22 : memref<512x128xf32, #tpu.memory_space<hbm>>) target_semaphore(%run_scoped3A : memref<!tpu.dma_semaphore, #tpu.memory_space<semaphore_mem>>)
      %dma_wait3A_23 = arith.constant 128 : i32
      %dma_wait3A_24 = tpu.memref_slice %arg8[%mul3A_2, %dma_wait3A_23] : memref<16384x384xf32, #tpu.memory_space<hbm>> -> memref<512x128xf32, #tpu.memory_space<hbm>>
      %dma_wait3A_25 = arith.constant 128 : i32
      %dma_wait3A_26 = tpu.memref_slice %arg8[%mul3A_2, %dma_wait3A_25] : memref<16384x384xf32, #tpu.memory_space<hbm>> -> memref<512x128xf32, #tpu.memory_space<hbm>>
      tpu.wait_dma2 semaphore(%run_scoped3A : memref<!tpu.dma_semaphore, #tpu.memory_space<semaphore_mem>>) src(%arg10 : memref<512x128xf32, #tpu.memory_space<vmem>>) dst(%dma_wait3A_26 : memref<512x128xf32, #tpu.memory_space<hbm>>)
      tpu.yield
    }) : () -> ()
    "tpu.region"() ({
      %run_scoped3A = tpu.sem_alloc : memref<!tpu.dma_semaphore, #tpu.memory_space<semaphore_mem>>
      %dma_start3A_19 = tpu.memref_slice %arg4[%mul3A_2] : memref<16384xi32, #tpu.memory_space<hbm>> -> memref<512xi32, #tpu.memory_space<hbm>>
      %dma_start3A_20 = tpu.memref_slice %arg4[%mul3A_2] : memref<16384xi32, #tpu.memory_space<hbm>> -> memref<512xi32, #tpu.memory_space<hbm>>
      tpu.enqueue_dma source(%dma_start3A_20 : memref<512xi32, #tpu.memory_space<hbm>>) target(%arg9 : memref<512xi32, #tpu.memory_space<vmem>>) target_semaphore(%run_scoped3A : memref<!tpu.dma_semaphore, #tpu.memory_space<semaphore_mem>>)
      %dma_wait3A_21 = tpu.memref_slice %arg4[%mul3A_2] : memref<16384xi32, #tpu.memory_space<hbm>> -> memref<512xi32, #tpu.memory_space<hbm>>
      %dma_wait3A_22 = tpu.memref_slice %arg4[%mul3A_2] : memref<16384xi32, #tpu.memory_space<hbm>> -> memref<512xi32, #tpu.memory_space<hbm>>
      tpu.wait_dma2 semaphore(%run_scoped3A : memref<!tpu.dma_semaphore, #tpu.memory_space<semaphore_mem>>) src(%dma_wait3A_22 : memref<512xi32, #tpu.memory_space<hbm>>) dst(%arg9 : memref<512xi32, #tpu.memory_space<vmem>>)
      tpu.yield
    }) : () -> ()
    %dma_start3A_13 = arith.constant 0 : i32
    %dma_start3A_14 = arith.constant 0 : i32
    %dma_start3A_15 = tpu.memref_slice %arg7[%dma_start3A_13, %dma_start3A_14] : memref<25000x128xf32, #tpu.memory_space<hbm>> -> memref<25000x128xf32, #tpu.memory_space<hbm>>
    tpu.enqueue_indirect_dma source(%dma_start3A_15 : memref<25000x128xf32, #tpu.memory_space<hbm>>) target(%arg10 : memref<512x128xf32, #tpu.memory_space<vmem>>) offsets(%arg9 : memref<512xi32, #tpu.memory_space<vmem>>) semaphore(%arg11 : memref<!tpu.dma_semaphore, #tpu.memory_space<semaphore_mem>>)
    %dma_wait3A_16 = arith.constant 0 : i32
    %dma_wait3A_17 = arith.constant 0 : i32
    %dma_wait3A_18 = tpu.memref_slice %arg7[%dma_wait3A_16, %dma_wait3A_17] : memref<25000x128xf32, #tpu.memory_space<hbm>> -> memref<25000x128xf32, #tpu.memory_space<hbm>>
    tpu.wait_indirect_dma semaphore(%arg11 : memref<!tpu.dma_semaphore, #tpu.memory_space<semaphore_mem>>) src(%dma_wait3A_18 : memref<25000x128xf32, #tpu.memory_space<hbm>>) dst(%arg10 : memref<512x128xf32, #tpu.memory_space<vmem>>)
    "tpu.region"() ({
      %run_scoped3A = tpu.sem_alloc : memref<!tpu.dma_semaphore, #tpu.memory_space<semaphore_mem>>
      %dma_start3A_19 = arith.constant 256 : i32
      %dma_start3A_20 = tpu.memref_slice %arg8[%mul3A_2, %dma_start3A_19] : memref<16384x384xf32, #tpu.memory_space<hbm>> -> memref<512x128xf32, #tpu.memory_space<hbm>>
      %dma_start3A_21 = arith.constant 256 : i32
      %dma_start3A_22 = tpu.memref_slice %arg8[%mul3A_2, %dma_start3A_21] : memref<16384x384xf32, #tpu.memory_space<hbm>> -> memref<512x128xf32, #tpu.memory_space<hbm>>
      tpu.enqueue_dma source(%arg10 : memref<512x128xf32, #tpu.memory_space<vmem>>) target(%dma_start3A_22 : memref<512x128xf32, #tpu.memory_space<hbm>>) target_semaphore(%run_scoped3A : memref<!tpu.dma_semaphore, #tpu.memory_space<semaphore_mem>>)
      %dma_wait3A_23 = arith.constant 256 : i32
      %dma_wait3A_24 = tpu.memref_slice %arg8[%mul3A_2, %dma_wait3A_23] : memref<16384x384xf32, #tpu.memory_space<hbm>> -> memref<512x128xf32, #tpu.memory_space<hbm>>
      %dma_wait3A_25 = arith.constant 256 : i32
      %dma_wait3A_26 = tpu.memref_slice %arg8[%mul3A_2, %dma_wait3A_25] : memref<16384x384xf32, #tpu.memory_space<hbm>> -> memref<512x128xf32, #tpu.memory_space<hbm>>
      tpu.wait_dma2 semaphore(%run_scoped3A : memref<!tpu.dma_semaphore, #tpu.memory_space<semaphore_mem>>) src(%arg10 : memref<512x128xf32, #tpu.memory_space<vmem>>) dst(%dma_wait3A_26 : memref<512x128xf32, #tpu.memory_space<hbm>>)
      tpu.yield
    }) : () -> ()
    return
  }
}

module attributes {stable_mosaic.version = 14 : i64} {
  func.func @body(%arg0: i32, %arg1: memref<32x32768xf32, #tpu.memory_space<vmem>>, %arg2: memref<8192x128xf32, #tpu.memory_space<vmem>>, %arg3: memref<32768x32xf32, #tpu.memory_space<vmem>>) attributes {dimension_semantics = [#tpu.dimension_semantics<parallel>], iteration_bounds = array<i64: 31>, scalar_prefetch = 0 : i64, scratch_operands = 1 : i64, tpu.core_type = #tpu.core_type<tc>, window_params = [{transform_indices = @transform_0, window_bounds = array<i64: 32, 32768>}, {transform_indices = @transform_1, window_bounds = array<i64: 8192, 128>}]} {
    %get3A = arith.constant 0 : index
    %get3A_0 = arith.constant 0 : index
    %get3A_1 = vector.load %arg1[%get3A, %get3A_0] : memref<32x32768xf32, #tpu.memory_space<vmem>>, vector<32x32768xf32>
    %transpose3A = tpu.transpose %get3A_1, [1, 0] : vector<32x32768xf32> -> vector<32768x32xf32>
    %swap3A = arith.constant 0 : index
    %swap3A_2 = arith.constant 0 : index
    %swap3A_3 = vector.load %arg3[%swap3A, %swap3A_2] : memref<32768x32xf32, #tpu.memory_space<vmem>>, vector<32768x32xf32>
    tpu.vector_store %arg3[%swap3A, %swap3A_2], %transpose3A {strides = array<i32>} : memref<32768x32xf32, #tpu.memory_space<vmem>>, vector<32768x32xf32>,
    %get3A_4 = arith.constant 0 : index
    %get3A_5 = arith.constant 0 : index
    %get3A_6 = tpu.strided_load %arg3[%get3A_4, %get3A_5] {strides = array<i32: 4, 1>} : memref<32768x32xf32, #tpu.memory_space<vmem>>, vector<8192x32xf32>
    %swap3A_7 = arith.constant 0 : index
    %swap3A_8 = arith.constant 0 : index
    %swap3A_9 = vector.load %arg2[%swap3A_7, %swap3A_8] : memref<8192x128xf32, #tpu.memory_space<vmem>>, vector<8192x32xf32>
    tpu.vector_store %arg2[%swap3A_7, %swap3A_8], %get3A_6 {strides = array<i32>} : memref<8192x128xf32, #tpu.memory_space<vmem>>, vector<8192x32xf32>,
    %get3A_10 = arith.constant 1 : index
    %get3A_11 = arith.constant 0 : index
    %get3A_12 = tpu.strided_load %arg3[%get3A_10, %get3A_11] {strides = array<i32: 4, 1>} : memref<32768x32xf32, #tpu.memory_space<vmem>>, vector<8192x32xf32>
    %swap3A_13 = arith.constant 0 : index
    %swap3A_14 = arith.constant 32 : index
    %swap3A_15 = vector.load %arg2[%swap3A_13, %swap3A_14] : memref<8192x128xf32, #tpu.memory_space<vmem>>, vector<8192x32xf32>
    tpu.vector_store %arg2[%swap3A_13, %swap3A_14], %get3A_12 {strides = array<i32>} : memref<8192x128xf32, #tpu.memory_space<vmem>>, vector<8192x32xf32>,
    %get3A_16 = arith.constant 2 : index
    %get3A_17 = arith.constant 0 : index
    %get3A_18 = tpu.strided_load %arg3[%get3A_16, %get3A_17] {strides = array<i32: 4, 1>} : memref<32768x32xf32, #tpu.memory_space<vmem>>, vector<8192x32xf32>
    %swap3A_19 = arith.constant 0 : index
    %swap3A_20 = arith.constant 64 : index
    %swap3A_21 = vector.load %arg2[%swap3A_19, %swap3A_20] : memref<8192x128xf32, #tpu.memory_space<vmem>>, vector<8192x32xf32>
    tpu.vector_store %arg2[%swap3A_19, %swap3A_20], %get3A_18 {strides = array<i32>} : memref<8192x128xf32, #tpu.memory_space<vmem>>, vector<8192x32xf32>,
    %get3A_22 = arith.constant 3 : index
    %get3A_23 = arith.constant 0 : index
    %get3A_24 = tpu.strided_load %arg3[%get3A_22, %get3A_23] {strides = array<i32: 4, 1>} : memref<32768x32xf32, #tpu.memory_space<vmem>>, vector<8192x32xf32>
    %swap3A_25 = arith.constant 0 : index
    %swap3A_26 = arith.constant 96 : index
    %swap3A_27 = vector.load %arg2[%swap3A_25, %swap3A_26] : memref<8192x128xf32, #tpu.memory_space<vmem>>, vector<8192x32xf32>
    tpu.vector_store %arg2[%swap3A_25, %swap3A_26], %get3A_24 {strides = array<i32>} : memref<8192x128xf32, #tpu.memory_space<vmem>>, vector<8192x32xf32>,
    return
  }
  func.func @transform_0(%arg0: i32) -> (i32, i32) {
    %c0_i32 = arith.constant 0 : i32
    %c0_i32_0 = arith.constant 0 : i32
    return %c0_i32, %arg0 : i32, i32
  }
  func.func @transform_1(%arg0: i32) -> (i32, i32) {
    %c0_i32 = arith.constant 0 : i32
    %c0_i32_0 = arith.constant 0 : i32
    return %arg0, %c0_i32 : i32, i32
  }
}

module attributes {stable_mosaic.version = 14 : i64} {
  func.func @body(%arg0: i32, %arg1: memref<2048x384xf32, #tpu.memory_space<vmem>>, %arg2: memref<2048x4xi32, #tpu.memory_space<vmem>>, %arg3: memref<96x64xf32, #tpu.memory_space<vmem>>, %arg4: memref<1x64xf32, #tpu.memory_space<vmem>>, %arg5: memref<2048x64xf32, #tpu.memory_space<vmem>>) attributes {dimension_semantics = [#tpu.dimension_semantics<parallel>], iteration_bounds = array<i64: 8>, scalar_prefetch = 0 : i64, scratch_operands = 0 : i64, tpu.core_type = #tpu.core_type<tc>, window_params = [{transform_indices = @transform_0, window_bounds = array<i64: 2048, 384>}, {transform_indices = @transform_1, window_bounds = array<i64: 2048, 4>}, {pipeline_mode = #tpu.pipeline_mode<synchronous>, transform_indices = @transform_2, window_bounds = array<i64: 96, 64>}, {pipeline_mode = #tpu.pipeline_mode<synchronous>, transform_indices = @transform_3, window_bounds = array<i64: 1, 64>}, {transform_indices = @transform_4, window_bounds = array<i64: 2048, 64>}]} {
    %get3A = arith.constant 0 : index
    %get3A_0 = arith.constant 0 : index
    %get3A_1 = vector.load %arg2[%get3A, %get3A_0] : memref<2048x4xi32, #tpu.memory_space<vmem>>, vector<2048x1xi32>
    %broadcast_in_dim3A = vector.shape_cast %get3A_1 : vector<2048x1xi32> to vector<2048x1xi32>
    %broadcast_in_dim3A_2 = vector.broadcast %broadcast_in_dim3A : vector<2048x1xi32> to vector<2048x128xi32>
    %iota3A = tpu.iota {dimensions = array<i32: 1>} : vector<2048x128xi32>
    %jit3A = arith.constant 32 : i32
    %div3A = vector.broadcast %jit3A : i32 to vector<2048x128xi32>
    %div3A_3 = arith.divsi %iota3A, %div3A : vector<2048x128xi32>
    %sign3A = arith.constant 0 : i32
    %sign3A_4 = vector.broadcast %sign3A : i32 to vector<2048x128xi32>
    %sign3A_5 = arith.cmpi sgt, %iota3A, %sign3A_4 : vector<2048x128xi32>
    %sign3A_6 = arith.extui %sign3A_5 : vector<2048x128xi1> to vector<2048x128xi32>
    %sign3A_7 = arith.constant 0 : i32
    %sign3A_8 = vector.broadcast %sign3A_7 : i32 to vector<2048x128xi32>
    %sign3A_9 = arith.cmpi slt, %iota3A, %sign3A_8 : vector<2048x128xi32>
    %sign3A_10 = arith.extui %sign3A_9 : vector<2048x128xi1> to vector<2048x128xi32>
    %sign3A_11 = arith.subi %sign3A_6, %sign3A_10 : vector<2048x128xi32>
    %sign3A_12 = arith.constant 0 : i32
    %sign3A_13 = arith.cmpi sgt, %jit3A, %sign3A_12 : i32
    %sign3A_14 = arith.extui %sign3A_13 : i1 to i32
    %sign3A_15 = arith.constant 0 : i32
    %sign3A_16 = arith.cmpi slt, %jit3A, %sign3A_15 : i32
    %sign3A_17 = arith.extui %sign3A_16 : i1 to i32
    %sign3A_18 = arith.subi %sign3A_14, %sign3A_17 : i32
    %ne3A = vector.broadcast %sign3A_18 : i32 to vector<2048x128xi32>
    %ne3A_19 = arith.cmpi ne, %sign3A_11, %ne3A : vector<2048x128xi32>
    %rem3A = vector.broadcast %jit3A : i32 to vector<2048x128xi32>
    %rem3A_20 = arith.remsi %iota3A, %rem3A : vector<2048x128xi32>
    %ne3A_21 = arith.constant 0 : i32
    %ne3A_22 = vector.broadcast %ne3A_21 : i32 to vector<2048x128xi32>
    %ne3A_23 = arith.cmpi ne, %rem3A_20, %ne3A_22 : vector<2048x128xi32>
    %and3A = arith.andi %ne3A_19, %ne3A_23 : vector<2048x128xi1>
    %sub3A = arith.constant 1 : i32
    %sub3A_24 = vector.broadcast %sub3A : i32 to vector<2048x128xi32>
    %sub3A_25 = arith.subi %div3A_3, %sub3A_24 : vector<2048x128xi32>
    %select_n3A = arith.select %and3A, %sub3A_25, %div3A_3 : vector<2048x128xi1>, vector<2048x128xi32>
    %eq3A = arith.cmpi eq, %select_n3A, %broadcast_in_dim3A_2 : vector<2048x128xi32>
    %get3A_26 = arith.constant 0 : index
    %get3A_27 = arith.constant 0 : index
    %get3A_28 = vector.load %arg1[%get3A_26, %get3A_27] : memref<2048x384xf32, #tpu.memory_space<vmem>>, vector<2048x128xf32>
    %jit3A_29 = arith.constant 0.000000e+00 : f32
    %broadcast_in_dim3A_30 = vector.broadcast %jit3A_29 : f32 to vector<2048x128xf32>
    %select_n3A_31 = arith.select %eq3A, %get3A_28, %broadcast_in_dim3A_30 : vector<2048x128xi1>, vector<2048x128xf32>
    %slice3A = vector.extract_strided_slice %select_n3A_31 {offsets = [0, 0], sizes = [2048, 32], strides = [1, 1]} : vector<2048x128xf32> to vector<2048x32xf32>
    %slice3A_32 = vector.extract_strided_slice %select_n3A_31 {offsets = [0, 32], sizes = [2048, 32], strides = [1, 1]} : vector<2048x128xf32> to vector<2048x32xf32>
    %add3A = arith.addf %slice3A, %slice3A_32 : vector<2048x32xf32>
    %slice3A_33 = vector.extract_strided_slice %select_n3A_31 {offsets = [0, 64], sizes = [2048, 32], strides = [1, 1]} : vector<2048x128xf32> to vector<2048x32xf32>
    %add3A_34 = arith.addf %add3A, %slice3A_33 : vector<2048x32xf32>
    %slice3A_35 = vector.extract_strided_slice %select_n3A_31 {offsets = [0, 96], sizes = [2048, 32], strides = [1, 1]} : vector<2048x128xf32> to vector<2048x32xf32>
    %add3A_36 = arith.addf %add3A_34, %slice3A_35 : vector<2048x32xf32>
    %get3A_37 = arith.constant 0 : index
    %get3A_38 = arith.constant 1 : index
    %get3A_39 = vector.load %arg2[%get3A_37, %get3A_38] : memref<2048x4xi32, #tpu.memory_space<vmem>>, vector<2048x1xi32>
    %broadcast_in_dim3A_40 = vector.shape_cast %get3A_39 : vector<2048x1xi32> to vector<2048x1xi32>
    %broadcast_in_dim3A_41 = vector.broadcast %broadcast_in_dim3A_40 : vector<2048x1xi32> to vector<2048x128xi32>
    %iota3A_42 = tpu.iota {dimensions = array<i32: 1>} : vector<2048x128xi32>
    %jit3A_43 = arith.constant 32 : i32
    %div3A_44 = vector.broadcast %jit3A_43 : i32 to vector<2048x128xi32>
    %div3A_45 = arith.divsi %iota3A_42, %div3A_44 : vector<2048x128xi32>
    %sign3A_46 = arith.constant 0 : i32
    %sign3A_47 = vector.broadcast %sign3A_46 : i32 to vector<2048x128xi32>
    %sign3A_48 = arith.cmpi sgt, %iota3A_42, %sign3A_47 : vector<2048x128xi32>
    %sign3A_49 = arith.extui %sign3A_48 : vector<2048x128xi1> to vector<2048x128xi32>
    %sign3A_50 = arith.constant 0 : i32
    %sign3A_51 = vector.broadcast %sign3A_50 : i32 to vector<2048x128xi32>
    %sign3A_52 = arith.cmpi slt, %iota3A_42, %sign3A_51 : vector<2048x128xi32>
    %sign3A_53 = arith.extui %sign3A_52 : vector<2048x128xi1> to vector<2048x128xi32>
    %sign3A_54 = arith.subi %sign3A_49, %sign3A_53 : vector<2048x128xi32>
    %sign3A_55 = arith.constant 0 : i32
    %sign3A_56 = arith.cmpi sgt, %jit3A_43, %sign3A_55 : i32
    %sign3A_57 = arith.extui %sign3A_56 : i1 to i32
    %sign3A_58 = arith.constant 0 : i32
    %sign3A_59 = arith.cmpi slt, %jit3A_43, %sign3A_58 : i32
    %sign3A_60 = arith.extui %sign3A_59 : i1 to i32
    %sign3A_61 = arith.subi %sign3A_57, %sign3A_60 : i32
    %ne3A_62 = vector.broadcast %sign3A_61 : i32 to vector<2048x128xi32>
    %ne3A_63 = arith.cmpi ne, %sign3A_54, %ne3A_62 : vector<2048x128xi32>
    %rem3A_64 = vector.broadcast %jit3A_43 : i32 to vector<2048x128xi32>
    %rem3A_65 = arith.remsi %iota3A_42, %rem3A_64 : vector<2048x128xi32>
    %ne3A_66 = arith.constant 0 : i32
    %ne3A_67 = vector.broadcast %ne3A_66 : i32 to vector<2048x128xi32>
    %ne3A_68 = arith.cmpi ne, %rem3A_65, %ne3A_67 : vector<2048x128xi32>
    %and3A_69 = arith.andi %ne3A_63, %ne3A_68 : vector<2048x128xi1>
    %sub3A_70 = arith.constant 1 : i32
    %sub3A_71 = vector.broadcast %sub3A_70 : i32 to vector<2048x128xi32>
    %sub3A_72 = arith.subi %div3A_45, %sub3A_71 : vector<2048x128xi32>
    %select_n3A_73 = arith.select %and3A_69, %sub3A_72, %div3A_45 : vector<2048x128xi1>, vector<2048x128xi32>
    %eq3A_74 = arith.cmpi eq, %select_n3A_73, %broadcast_in_dim3A_41 : vector<2048x128xi32>
    %get3A_75 = arith.constant 0 : index
    %get3A_76 = arith.constant 128 : index
    %get3A_77 = vector.load %arg1[%get3A_75, %get3A_76] : memref<2048x384xf32, #tpu.memory_space<vmem>>, vector<2048x128xf32>
    %jit3A_78 = arith.constant 0.000000e+00 : f32
    %broadcast_in_dim3A_79 = vector.broadcast %jit3A_78 : f32 to vector<2048x128xf32>
    %select_n3A_80 = arith.select %eq3A_74, %get3A_77, %broadcast_in_dim3A_79 : vector<2048x128xi1>, vector<2048x128xf32>
    %slice3A_81 = vector.extract_strided_slice %select_n3A_80 {offsets = [0, 0], sizes = [2048, 32], strides = [1, 1]} : vector<2048x128xf32> to vector<2048x32xf32>
    %slice3A_82 = vector.extract_strided_slice %select_n3A_80 {offsets = [0, 32], sizes = [2048, 32], strides = [1, 1]} : vector<2048x128xf32> to vector<2048x32xf32>
    %add3A_83 = arith.addf %slice3A_81, %slice3A_82 : vector<2048x32xf32>
    %slice3A_84 = vector.extract_strided_slice %select_n3A_80 {offsets = [0, 64], sizes = [2048, 32], strides = [1, 1]} : vector<2048x128xf32> to vector<2048x32xf32>
    %add3A_85 = arith.addf %add3A_83, %slice3A_84 : vector<2048x32xf32>
    %slice3A_86 = vector.extract_strided_slice %select_n3A_80 {offsets = [0, 96], sizes = [2048, 32], strides = [1, 1]} : vector<2048x128xf32> to vector<2048x32xf32>
    %add3A_87 = arith.addf %add3A_85, %slice3A_86 : vector<2048x32xf32>
    %get3A_88 = arith.constant 0 : index
    %get3A_89 = arith.constant 2 : index
    %get3A_90 = vector.load %arg2[%get3A_88, %get3A_89] : memref<2048x4xi32, #tpu.memory_space<vmem>>, vector<2048x1xi32>
    %broadcast_in_dim3A_91 = vector.shape_cast %get3A_90 : vector<2048x1xi32> to vector<2048x1xi32>
    %broadcast_in_dim3A_92 = vector.broadcast %broadcast_in_dim3A_91 : vector<2048x1xi32> to vector<2048x128xi32>
    %iota3A_93 = tpu.iota {dimensions = array<i32: 1>} : vector<2048x128xi32>
    %jit3A_94 = arith.constant 32 : i32
    %div3A_95 = vector.broadcast %jit3A_94 : i32 to vector<2048x128xi32>
    %div3A_96 = arith.divsi %iota3A_93, %div3A_95 : vector<2048x128xi32>
    %sign3A_97 = arith.constant 0 : i32
    %sign3A_98 = vector.broadcast %sign3A_97 : i32 to vector<2048x128xi32>
    %sign3A_99 = arith.cmpi sgt, %iota3A_93, %sign3A_98 : vector<2048x128xi32>
    %sign3A_100 = arith.extui %sign3A_99 : vector<2048x128xi1> to vector<2048x128xi32>
    %sign3A_101 = arith.constant 0 : i32
    %sign3A_102 = vector.broadcast %sign3A_101 : i32 to vector<2048x128xi32>
    %sign3A_103 = arith.cmpi slt, %iota3A_93, %sign3A_102 : vector<2048x128xi32>
    %sign3A_104 = arith.extui %sign3A_103 : vector<2048x128xi1> to vector<2048x128xi32>
    %sign3A_105 = arith.subi %sign3A_100, %sign3A_104 : vector<2048x128xi32>
    %sign3A_106 = arith.constant 0 : i32
    %sign3A_107 = arith.cmpi sgt, %jit3A_94, %sign3A_106 : i32
    %sign3A_108 = arith.extui %sign3A_107 : i1 to i32
    %sign3A_109 = arith.constant 0 : i32
    %sign3A_110 = arith.cmpi slt, %jit3A_94, %sign3A_109 : i32
    %sign3A_111 = arith.extui %sign3A_110 : i1 to i32
    %sign3A_112 = arith.subi %sign3A_108, %sign3A_111 : i32
    %ne3A_113 = vector.broadcast %sign3A_112 : i32 to vector<2048x128xi32>
    %ne3A_114 = arith.cmpi ne, %sign3A_105, %ne3A_113 : vector<2048x128xi32>
    %rem3A_115 = vector.broadcast %jit3A_94 : i32 to vector<2048x128xi32>
    %rem3A_116 = arith.remsi %iota3A_93, %rem3A_115 : vector<2048x128xi32>
    %ne3A_117 = arith.constant 0 : i32
    %ne3A_118 = vector.broadcast %ne3A_117 : i32 to vector<2048x128xi32>
    %ne3A_119 = arith.cmpi ne, %rem3A_116, %ne3A_118 : vector<2048x128xi32>
    %and3A_120 = arith.andi %ne3A_114, %ne3A_119 : vector<2048x128xi1>
    %sub3A_121 = arith.constant 1 : i32
    %sub3A_122 = vector.broadcast %sub3A_121 : i32 to vector<2048x128xi32>
    %sub3A_123 = arith.subi %div3A_96, %sub3A_122 : vector<2048x128xi32>
    %select_n3A_124 = arith.select %and3A_120, %sub3A_123, %div3A_96 : vector<2048x128xi1>, vector<2048x128xi32>
    %eq3A_125 = arith.cmpi eq, %select_n3A_124, %broadcast_in_dim3A_92 : vector<2048x128xi32>
    %get3A_126 = arith.constant 0 : index
    %get3A_127 = arith.constant 256 : index
    %get3A_128 = vector.load %arg1[%get3A_126, %get3A_127] : memref<2048x384xf32, #tpu.memory_space<vmem>>, vector<2048x128xf32>
    %jit3A_129 = arith.constant 0.000000e+00 : f32
    %broadcast_in_dim3A_130 = vector.broadcast %jit3A_129 : f32 to vector<2048x128xf32>
    %select_n3A_131 = arith.select %eq3A_125, %get3A_128, %broadcast_in_dim3A_130 : vector<2048x128xi1>, vector<2048x128xf32>
    %slice3A_132 = vector.extract_strided_slice %select_n3A_131 {offsets = [0, 0], sizes = [2048, 32], strides = [1, 1]} : vector<2048x128xf32> to vector<2048x32xf32>
    %slice3A_133 = vector.extract_strided_slice %select_n3A_131 {offsets = [0, 32], sizes = [2048, 32], strides = [1, 1]} : vector<2048x128xf32> to vector<2048x32xf32>
    %add3A_134 = arith.addf %slice3A_132, %slice3A_133 : vector<2048x32xf32>
    %slice3A_135 = vector.extract_strided_slice %select_n3A_131 {offsets = [0, 64], sizes = [2048, 32], strides = [1, 1]} : vector<2048x128xf32> to vector<2048x32xf32>
    %add3A_136 = arith.addf %add3A_134, %slice3A_135 : vector<2048x32xf32>
    %slice3A_137 = vector.extract_strided_slice %select_n3A_131 {offsets = [0, 96], sizes = [2048, 32], strides = [1, 1]} : vector<2048x128xf32> to vector<2048x32xf32>
    %add3A_138 = arith.addf %add3A_136, %slice3A_137 : vector<2048x32xf32>
    %concatenate3A = tpu.concatenate %add3A_36, %add3A_87, %add3A_138 in 1 : vector<2048x32xf32>, vector<2048x32xf32>, vector<2048x32xf32> -> vector<2048x96xf32>
    %get3A_139 = arith.constant 0 : index
    %get3A_140 = arith.constant 0 : index
    %get3A_141 = vector.load %arg3[%get3A_139, %get3A_140] : memref<96x64xf32, #tpu.memory_space<vmem>>, vector<96x64xf32>
    %dot_general3A = arith.constant dense<0.000000e+00> : vector<2048x64xf32>
    %dot_general3A_142 = tpu.matmul %concatenate3A, %get3A_141, %dot_general3A {dimension_numbers = #tpu.dot_dimension_numbers<[1], [0], [0], [1], [0, 0, 1, 1], [], []>, transpose_lhs_hint = false} : vector<2048x96xf32>, vector<96x64xf32>, vector<2048x64xf32> -> vector<2048x64xf32>
    %get3A_143 = arith.constant 0 : index
    %get3A_144 = arith.constant 0 : index
    %get3A_145 = vector.load %arg4[%get3A_143, %get3A_144] : memref<1x64xf32, #tpu.memory_space<vmem>>, vector<1x64xf32>
    %add3A_146 = vector.broadcast %get3A_145 : vector<1x64xf32> to vector<2048x64xf32>
    %add3A_147 = arith.addf %dot_general3A_142, %add3A_146 : vector<2048x64xf32>
    %max3A = arith.constant 0.000000e+00 : f32
    %max3A_148 = vector.broadcast %max3A : f32 to vector<2048x64xf32>
    %max3A_149 = arith.maximumf %add3A_147, %max3A_148 : vector<2048x64xf32>
    %swap3A = arith.constant 0 : index
    %swap3A_150 = arith.constant 0 : index
    %swap3A_151 = vector.load %arg5[%swap3A, %swap3A_150] : memref<2048x64xf32, #tpu.memory_space<vmem>>, vector<2048x64xf32>
    tpu.vector_store %arg5[%swap3A, %swap3A_150], %max3A_149 {strides = array<i32>} : memref<2048x64xf32, #tpu.memory_space<vmem>>, vector<2048x64xf32>,
    return
  }
  func.func @transform_0(%arg0: i32) -> (i32, i32) {
    %c0_i32 = arith.constant 0 : i32
    %c0_i32_0 = arith.constant 0 : i32
    return %arg0, %c0_i32 : i32, i32
  }
  func.func @transform_1(%arg0: i32) -> (i32, i32) {
    %c0_i32 = arith.constant 0 : i32
    %c0_i32_0 = arith.constant 0 : i32
    return %arg0, %c0_i32 : i32, i32
  }
  func.func @transform_2(%arg0: i32) -> (i32, i32) {
    %c0_i32 = arith.constant 0 : i32
    %c0_i32_0 = arith.constant 0 : i32
    %c0_i32_1 = arith.constant 0 : i32
    return %c0_i32, %c0_i32_0 : i32, i32
  }
  func.func @transform_3(%arg0: i32) -> (i32, i32) {
    %c0_i32 = arith.constant 0 : i32
    %c0_i32_0 = arith.constant 0 : i32
    %c0_i32_1 = arith.constant 0 : i32
    return %c0_i32, %c0_i32_0 : i32, i32
  }
  func.func @transform_4(%arg0: i32) -> (i32, i32) {
    %c0_i32 = arith.constant 0 : i32
    %c0_i32_0 = arith.constant 0 : i32
    return %arg0, %c0_i32 : i32, i32
  }
}

</mosaic_0001>

<sc_bundles>
// kernel: kernel.5.cloned.1.call-start
scs
__scs_entry_jumppad:
0x0: {  	(pc) =	sbr.rel $0x88, $3  }
0x1: {  	(tag) =	ssettag $0x0;
	lr =	simm.s32 $0x1  }
0x2: {  	[smem:$0x3F99] =	sst lr;
	_ =	strace $0xD0000000  }
0x3: {  	_ = 	snop  }
0x4: {  	_ = 	snop  }
0x5: {  	_ = 	snop  }
0x6: {  	_ = 	snop  }
0x7: {  	_ = 	snop  }
__scs_overlays_trampoline_lowered:
0x8: {  	[smem:$0x3FA8] =	sst s0  }
0x9: {  	[smem:$0x3FA9] =	sst s1  }
0xa: {  	[smem:$0x3FAA] =	sst s2  }
0xb: {  	[smem:$0x3FAB] =	sst s3  }
0xc: {  	[smem:$0x3FAC] =	sst s4  }
0xd: {  	[smem:$0x3FAD] =	sst s5  }
0xe: {  	[smem:$0x3FAE] =	sst s6  }
0xf: {  	[smem:$0x3FAF] =	sst s7  }
0x10: {  	[smem:$0x3FB0] =	sst s8  }
0x11: {  	[smem:$0x3FB1] =	sst s9;
	s0 =	simm.s32 @!p0 $0x0  }
0x12: {  	s1 =	sld [smem:$0x3F97];
	s0 =	simm.s32 @p0 $0x1  }
0x13: {  	[smem:$0x3FB2] =	sst s0;
	s0 =	simm.s32 @!p1 $0x0  }
0x14: {  	s2 =	sld [smem:$0x3F96];
	s0 =	simm.s32 @p1 $0x1  }
0x15: {  	[smem:$0x3FB3] =	sst s0;
	s0 =	simm.s32 @!p2 $0x0  }
0x16: {  	s3 =	sld [smem:$0x3FDB];
	s0 =	simm.s32 @p2 $0x1  }
0x17: {  	s4 =	simm.s32 $0x1BF5;
	[smem:$0x3FB5] =	sst s0  }
0x18: {  	s0 =	sld [smem:$0x3F98];
	_ =	swait.ge [sflag:s4], $0x0  }
0x19: {  	s7 =	sld [smem:$0x3F99]  }
0x1a: {  	s8 =	sadd.s32 $0xFFFFE003, lr  }
0x1b: {  	s9 =	sadd.s32 $0xFFFFFEF7, lr;
	s5 =	simm.s32 $0xFFFFFFFF;
	p2 =	slt.u32 s8, $0xFFFFF086  }
0x1c: {  	p1 =	slt.u32 s9, $0xF7A;
	s5 =	simm.s32 @!p2 $0x0  }
0x1d: {  	s5 =	simm.s32 @p1 $0x1;
	p0 =	seq.s32 s7, s2  }
0x1e: {  	s7 =	smul.u32 @!p0 $0xF7A, s2;
	p2 =	seq.s32 @!p0 s5, $0x0  }
0x1f: {  	s9 =	smul.u32 $0xF7A, s1;
	s8 =	simm.s32 @!p0 $0x1BF5;
	p2 =	por !p2, p0  }
0x20: {  	[sflag:s8] =	ssyncset.s32 @!p0 $0xFFFFF086;
	s6 =	sadd.s32 @!p0 s3, s7;
	s7 =	simm.s32 @!p0 $0x108  }
0x21: {  	s3 =	sadd.s32 s3, s9;
	s6 =	sadd.s32 @!p0 $0x88, s6;
	s7 =	simm.s32 @p2 $0x1082  }
0x22: {  	[simem:s7], [sflag:s8] =	dma.local @!p0 [hbm:s6], $0xF7A  }
0x23: {  	s9 =	sor.u32 $0xD0000000, s2;
	s6 =	simm.s32 $0x108;
	_ =	swait.ge @!p0 [sflag:s8], $0x0  }
0x24: {  	s3 =	sadd.s32 $0x88, s3;
	s6 =	simm.s32 @!p1 $0x1082;
	[sflag:s4] =	ssyncset.s32 $0xFFFFF086  }
0x25: {  	[simem:s6], [sflag:s4] =	dma.local [hbm:s3], $0xF7A  }
0x26: {  	[smem:$0x3F99] =	sst s1;
	(tag) =	ssettag s2;
	_ =	strace s9  }
0x27: {  	s1 =	sld [smem:$0x3FA9]  }
0x28: {  	s2 =	sld [smem:$0x3FAA]  }
0x29: {  	s4 =	sld [smem:$0x3FAC]  }
0x2a: {  	p0 =	seq.s32 s5, $0x0;
	s5 =	sld [smem:$0x3FAD]  }
0x2b: {  	s6 =	sld [smem:$0x3FAE]  }
0x2c: {  	s7 =	sld [smem:$0x3FAF]  }
0x2d: {  	s3 =	simm.s32 $0x108;
	s8 =	sld [smem:$0x3FB0]  }
0x2e: {  	s3 =	simm.s32 @!p0 $0x1082;
	s9 =	sld [smem:$0x3FB1]  }
0x2f: {  	lr =	sadd.s32 s0, s3;
	s0 =	sld [smem:$0x3FA8]  }
0x30: {  	s3 =	sld [smem:$0x3FAB]  }
0x31: {  	[smem:$0x3FB4] =	sst s10  }
0x32: {  	s10 =	sld [smem:$0x3FB2];
	_ =	sdelay $0x3  }
0x33: {  	p0 =	seq.s32 s10, $0x1;
	s10 =	sld [smem:$0x3FB4];
	_ =	sdelay $0x3  }
0x34: {  	[smem:$0x3FB4] =	sst s10  }
0x35: {  	s10 =	sld [smem:$0x3FB3];
	_ =	sdelay $0x3  }
0x36: {  	p1 =	seq.s32 s10, $0x1;
	s10 =	sld [smem:$0x3FB4];
	_ =	sdelay $0x3  }
0x37: {  	[smem:$0x3FB4] =	sst s10  }
0x38: {  	s10 =	sld [smem:$0x3FB5]  }
0x39: {  	_ = 	snop;
	(pc) =	sbr.ind lr, $3  }
0x3a: {  	_ = 	snop  }
0x3b: {  	_ = 	snop  }
0x3c: {  	p2 =	seq.s32 s10, $0x1;
	s10 =	sld [smem:$0x3FB4]  }
0x3d: {  	_ =	shalt  }
0x3e: {  	_ =	shalt  }
0x3f: {  	_ =	shalt  }
0x40: {  	_ =	shalt  }
0x41: {  	_ =	shalt  }
0x42: {  	_ =	shalt  }
0x43: {  	_ =	shalt  }
0x44: {  	_ =	shalt  }
0x45: {  	_ =	shalt  }
0x46: {  	_ =	shalt  }
0x47: {  	_ =	shalt  }
0x48: {  	_ =	shalt  }
0x49: {  	_ =	shalt  }
0x4a: {  	_ =	shalt  }
0x4b: {  	_ =	shalt  }
0x4c: {  	_ =	shalt  }
0x4d: {  	_ =	shalt  }
0x4e: {  	_ =	shalt  }
0x4f: {  	_ =	shalt  }
0x50: {  	_ =	shalt  }
0x51: {  	_ =	shalt  }
0x52: {  	_ =	shalt  }
0x53: {  	_ =	shalt  }
0x54: {  	_ =	shalt  }
0x55: {  	_ =	shalt  }
0x56: {  	_ =	shalt  }
0x57: {  	_ =	shalt  }
0x58: {  	_ =	shalt  }
0x59: {  	_ =	shalt  }
0x5a: {  	_ =	shalt  }
0x5b: {  	_ =	shalt  }
0x5c: {  	_ =	shalt  }
0x5d: {  	_ =	shalt  }
0x5e: {  	_ =	shalt  }
0x5f: {  	_ =	shalt  }
0x60: {  	_ =	shalt  }
0x61: {  	_ =	shalt  }
0x62: {  	_ =	shalt  }
0x63: {  	_ =	shalt  }
0x64: {  	_ =	shalt  }
0x65: {  	_ =	shalt  }
0x66: {  	_ =	shalt  }
0x67: {  	_ =	shalt  }
0x68: {  	_ =	shalt  }
0x69: {  	_ =	shalt  }
0x6a: {  	_ =	shalt  }
0x6b: {  	_ =	shalt  }
0x6c: {  	_ =	shalt  }
0x6d: {  	_ =	shalt  }
0x6e: {  	_ =	shalt  }
0x6f: {  	_ =	shalt  }
0x70: {  	_ =	shalt  }
0x71: {  	_ =	shalt  }
0x72: {  	_ =	shalt  }
0x73: {  	_ =	shalt  }
0x74: {  	_ =	shalt  }
0x75: {  	_ =	shalt  }
0x76: {  	_ =	shalt  }
0x77: {  	_ =	shalt  }
0x78: {  	_ =	shalt  }
0x79: {  	_ =	shalt  }
0x7a: {  	_ =	shalt  }
0x7b: {  	_ =	shalt  }
0x7c: {  	_ =	shalt  }
0x7d: {  	_ =	shalt  }
0x7e: {  	_ =	shalt  }
0x7f: {  	_ =	shalt  }
0x80: {  	_ =	shalt  }
0x81: {  	_ =	shalt  }
0x82: {  	_ =	shalt  }
0x83: {  	_ =	shalt  }
0x84: {  	_ =	shalt  }
0x85: {  	_ =	shalt  }
0x86: {  	_ =	shalt  }
0x87: {  	_ =	shalt  }
.Lfunc_end0:
.L_simem_size_0:
called_computation_lowered:
.L_overlay_start_0:
0x88: {  	s2 =	sld [smem:$0x3FD9]  }
0x89: {  	s3 =	sld [smem:$0x3FFE];
	_ =	sdelay $0x1  }
0x8a: {  	s1 =	srdreg.scid  }
0x8b: {  	s0 =	sand.u32 $0x1, s1  }
0x8c: {  	s16 =	sshll.u32 s0, $0xA;
	s2 =	sadd.s32 s3, s2  }
0x8d: {  	s2 =	sadd.s32 s2, s16  }
0x8e: {  	[smem:$0x3FC0] =	sst s2  }
0x8f: {  	_ = 	snop  }
0x90: {  	(tm) =	ssettm $0x1  }
0x91: {  	s17 =	sld [smem:$0x3FFB];
	_ =	sdelay $0x3  }
0x92: {  	_ =	strace s17  }
0x93: {  	s2 =	sld [smem:$0x3FFC];
	_ =	sdelay $0x3  }
0x94: {  	_ =	strace s2  }
0x95: {  	s2 =	sld [smem:$0x3FFD];
	_ =	sdelay $0x3  }
0x96: {  	_ =	strace s2  }
0x97: {  	_ =	strace $0x8FFFFFFF  }
0x98: {  	s18 =	sld [smem:$0x3FDB];
	_ =	sdelay $0x1  }
0x99: {  	s19 =	simm.s32 $_scs_section_size  }
0x9a: {  	s4 =	simm.s32 $_size__tile_overlayer_lowered;
	s5 =	simm.s32 $_tile_overlayer_lowered  }
0x9b: {  	s22 =	simm.s32 $0x1BFF;
	s21 =	sshll.u32 s5, $0x1;
	s2 =	sadd.s32 s19, s18  }
0x9c: {  	s6 =	simm.s32 $0x0;
	s20 =	sshll.u32 s4, $0x1;
	s4 =	sadd.s32 s21, s2  }
0x9d: {  	[timem:s6], [sflag:s22] =	dma.local [hbm:s4], s20  }
0x9e: {  	_ =	swait.ge [sflag:s22], s20  }
0x9f: {  	s3 =	ssub.s32 $0x0, s20;
	[sflag:s22] =	ssyncset.done $0x0  }
0xa0: {  	[sflag:s22] =	ssyncadd.s32 s3;
	_ =	sdelay $0x1  }
0xa1: {  	s23 =	simm.s32 $0x1B8B  }
0xa2: {  	_ =	swait.ge [sflag:s23], $0x1  }
0xa3: {  	[sflag:s23] =	ssyncset.done $0x0  }
0xa4: {  	s25 =	simm.s32 $0x1B8E;
	s24 =	sld [smem:$0x3FFE];
	[sflag:s23] =	ssyncadd.s32 $0xFFFFFFFF  }
0xa5: {  	s26 =	simm.s32 $execute0_lowered;
	[smem:$0x3FD2] =	sst s25  }
0xa6: {  	s4 =	sshll.u32 s26, $0x1;
	_ =	strace $0x80000046;
	[dreg:$0x1] =	wrdreg $0xFFFFFFFF  }
0xa7: {  	s28 =	simm.s32 $_size_execute0_lowered;
	s2 =	sadd.s32 s2, s4;
	[dreg:$0x0] =	wrdreg $0x0  }
0xa8: {  	s4 =	sshll.u32 s28, $0x1;
	[dreg:$0x2] =	wrdreg s2  }
0xa9: {  	[dreg:$0x3] =	wrdreg s4  }
0xaa: {  	[dreg:$0x4] =	wrdreg $0xC0  }
0xab: {  	_ =	task [dreg:s6], $0x5FFFF  }
0xac: {  	[dreg:$0x1] =	wrdreg $0xFFFFFFFF  }
0xad: {  	[dreg:$0x0] =	wrdreg $0x60  }
0xae: {  	[dreg:$0x2] =	wrdreg s24  }
0xaf: {  	[dreg:$0x3] =	wrdreg $0x9  }
0xb0: {  	_ =	task.clear_ibuf [dreg:s6], $0x4FFFF;
	_ =	strace $0x90000046  }
0xb1: {  	s29 =	simm.s32 $0x9;
	_ =	strace $0x80000048  }
0xb2: {  	_ =	swait.ge [sflag:s29], $0x1  }
0xb3: {  	[sflag:s29] =	ssyncadd.s32 $0xFFFFFFFF  }
0xb4: {  	_ =	strace $0x90000048  }
0xb5: {  	_ =	sfence  }
0xb6: {  	s30 =	sld [smem:$0x0];
	_ =	sdelay $0x2  }
0xb7: {  	s31 =	sshll.u32 s1, $0xD;
	s1 =	sshrl.u32 s1, $0x2  }
0xb8: {  	s3 =	sand.u32 $0x4000, s31;
	s1 =	sadd.s32 s1, s30  }
0xb9: {  	s0 =	sor.u32 s3, s0;
	s1 =	sshll.u32 s1, $0x11  }
0xba: {  	s0 =	sor.u32 s1, s0  }
0xbb: {  	s0 =	sadd.s32 $0x8F2B, s0  }
0xbc: {  	[sflag:s0] =	ssyncadd.remote.s32 $0x1  }
0xbd: {  	_ =	sfence.sel $0xFFFF  }
0xbe: {  	[dreg:$0x0] =	wrdreg $0xFFFFFFFF;
	(pc) =	sbr.abs _section_cstart, $3  }
0xbf: {  	[dreg:$0x1] =	wrdreg $0xFFFFFFFF  }
0xc0: {  	_ =	task.clear_ibuf [dreg:s6], $0x2FFFF;
	_ =	strace $0x9FFFFFFF  }
0xc1: {  	(tm) =	ssettm $0x7FFFFFFF  }
tec
execute0_lowered:
.L_overlay_start_1:
0x0: {  	(tag) =	ssettag $0x1  }
0x1: {  	s1 =	srdreg.scid  }
0x2: {  	s0 =	stileid.u32;
	s16 =	sand.u32 $0x1, s1  }
0x3: {  	s15 =	rddreg [dreg:$0x0];
	s3 =	sshll.u32 s0, $0x7;
	s4 =	sshll.u32 s16, $0x6  }
0x4: {  	s2 =	simm.s32 $0x0;
	s1 =	rddreg [dreg:$0x1];
	s6 =	sor.u32 s4, s3  }
0x5: {  	[smem:$0x7FF] =	sst s2;
	s14 =	sadd.s32 s6, s15  }
0x6: {  	_ =	strace $0x80000047;
	s3 =	simm.s32 $0x2;
	s4 =	sadd.s32 $0x2600, s14  }
0x7: {  	[tilespmem:s2], [sflag:$0x2] =	stream.linear.gather [hbm4b:s4+s2], $0x200, $0x38;
	[tilespmem:$0x10200] =	vst v63  }
0x8: {  	_ =	swait.ge [sflag:s3], $0x200  }
0x9: {  	s7 =	simm.s32 $0x1;
	s5 =	sadd.s32 $0x24D000, s15;
	[sflag:s3] =	ssyncset.done $0x0  }
0xa: {  	s8 =	smul.u32 $0x180, s6;
	s6 =	simm.s32 $0x200;
	[sflag:s3] =	ssyncadd.s32 $0xFFFFFE00  }
0xb: {  	[tilespmem:s6], [sflag:$0x1] =	stream.indirect.gather [hbm4b:s5+s6], $0x80, s2, s6, $0xb8;
	[tilespmem:$0x10200] =	vst v63  }
0xc: {  	_ =	swait.ge [sflag:s7], $0x10000  }
0xd: {  	s9 =	simm.s32 $0x400;
	s17 =	sadd.s32 s8, s15;
	[sflag:s7] =	ssyncset.done $0x0  }
0xe: {  	s10 =	simm.s32 $0xC00;
	s8 =	sadd.s32 $0x4E00, s17;
	[sflag:s7] =	ssyncadd.s32 $0xFFFF0000  }
0xf: {  	[hbm4b:s8+s9] =	stream.strided.scatter [tilespmem:s6], [sflag:$0x2], $0x10000, s10, s9, $0x38;
	[tilespmem:$0x10200] =	vst v63  }
0x10: {  	_ =	swait.ge [sflag:s3], $0x10000  }
0x11: {  	[sflag:s3] =	ssyncset.done $0x0  }
0x12: {  	s11 =	sadd.s32 $0x4600, s14;
	[sflag:s3] =	ssyncadd.s32 $0xFFFF0000  }
0x13: {  	[tilespmem:s2], [sflag:$0x2] =	stream.linear.gather [hbm4b:s11+s2], $0x200, $0x38;
	[tilespmem:$0x10200] =	vst v63  }
0x14: {  	_ =	swait.ge [sflag:s3], $0x200  }
0x15: {  	[sflag:s3] =	ssyncset.done $0x0  }
0x16: {  	s12 =	sadd.s32 $0x189800, s15;
	[sflag:s3] =	ssyncadd.s32 $0xFFFFFE00  }
0x17: {  	[tilespmem:s6], [sflag:$0x1] =	stream.indirect.gather [hbm4b:s12+s6], $0x80, s2, s6, $0xb8;
	[tilespmem:$0x10200] =	vst v63  }
0x18: {  	_ =	swait.ge [sflag:s7], $0x10000  }
0x19: {  	[sflag:s7] =	ssyncset.done $0x0  }
0x1a: {  	s13 =	sadd.s32 $0x4E80, s17;
	[sflag:s7] =	ssyncadd.s32 $0xFFFF0000  }
0x1b: {  	[hbm4b:s13+s9] =	stream.strided.scatter [tilespmem:s6], [sflag:$0x2], $0x10000, s10, s9, $0x38;
	[tilespmem:$0x10200] =	vst v63  }
0x1c: {  	_ =	swait.ge [sflag:s3], $0x10000  }
0x1d: {  	[sflag:s3] =	ssyncset.done $0x0  }
0x1e: {  	s16 =	ssub.s32 $0x2, s16;
	s14 =	sadd.s32 $0x3E00, s14;
	[sflag:s3] =	ssyncadd.s32 $0xFFFF0000  }
0x1f: {  	[tilespmem:s2], [sflag:$0x2] =	stream.linear.gather [hbm4b:s14+s2], $0x200, $0x38;
	[tilespmem:$0x10200] =	vst v63  }
0x20: {  	s18 =	sshrl.u32 s16, $0x1;
	_ =	swait.ge [sflag:s3], $0x200  }
0x21: {  	s18 =	ssub.s32 s16, s18;
	[sflag:s3] =	ssyncset.done $0x0  }
0x22: {  	s31 =	smax.u32 s18, $0x1;
	s15 =	sadd.s32 $0x1EB400, s15;
	[sflag:s3] =	ssyncadd.s32 $0xFFFFFE00  }
0x23: {  	[tilespmem:s6], [sflag:$0x1] =	stream.indirect.gather [hbm4b:s15+s6], $0x80, s2, s6, $0xb8;
	[tilespmem:$0x10200] =	vst v63  }
0x24: {  	p0 =	sne.s32 s31, $0x1;
	_ =	swait.ge [sflag:s7], $0x10000  }
.Ltmp0:
0x25: {  	[sflag:s7] =	ssyncset.done $0x0;
	(pc) =	sbr.rel @!p0 .LBB2_2-.Ltmp0, $4  }
0x26: {  	s16 =	sadd.s32 $0x4F00, s17;
	[sflag:s7] =	ssyncadd.s32 $0xFFFF0000  }
0x27: {  	[hbm4b:s16+s9] =	stream.strided.scatter [tilespmem:s6], [sflag:$0x2], $0x10000, s10, s9, $0x38;
	[tilespmem:$0x10200] =	vst v63  }
0x28: {  	_ =	swait.ge [sflag:s3], $0x10000  }
0x29: {  	s17 =	sadd.s32 $0xFFFFFFFF, s31;
	[sflag:s3] =	ssyncset.done $0x0  }
.LBB2_1:
0x2a: {  	p0 =	sne.s32 s17, $0x1;
	s17 =	sadd.s32 $0xFFFFFFFF, s17;
	[sflag:s3] =	ssyncadd.s32 $0xFFFF0000  }
0x2b: {  	[tilespmem:s2], [sflag:$0x2] =	stream.linear.gather [hbm4b:s4+s2], $0x200, $0x38;
	[tilespmem:$0x10200] =	vst v63  }
0x2c: {  	_ =	swait.ge [sflag:s3], $0x200  }
0x2d: {  	[sflag:s3] =	ssyncset.done $0x0  }
0x2e: {  	[sflag:s3] =	ssyncadd.s32 $0xFFFFFE00  }
0x2f: {  	[tilespmem:s6], [sflag:$0x1] =	stream.indirect.gather [hbm4b:s5+s6], $0x80, s2, s6, $0xb8;
	[tilespmem:$0x10200] =	vst v63  }
0x30: {  	_ =	swait.ge [sflag:s7], $0x10000  }
0x31: {  	[sflag:s7] =	ssyncset.done $0x0  }
0x32: {  	[sflag:s7] =	ssyncadd.s32 $0xFFFF0000  }
0x33: {  	[hbm4b:s8+s9] =	stream.strided.scatter [tilespmem:s6], [sflag:$0x2], $0x10000, s10, s9, $0x38;
	[tilespmem:$0x10200] =	vst v63  }
0x34: {  	_ =	swait.ge [sflag:s3], $0x10000  }
0x35: {  	[sflag:s3] =	ssyncset.done $0x0  }
0x36: {  	[sflag:s3] =	ssyncadd.s32 $0xFFFF0000  }
0x37: {  	[tilespmem:s2], [sflag:$0x2] =	stream.linear.gather [hbm4b:s11+s2], $0x200, $0x38;
	[tilespmem:$0x10200] =	vst v63  }
0x38: {  	_ =	swait.ge [sflag:s3], $0x200  }
0x39: {  	[sflag:s3] =	ssyncset.done $0x0  }
0x3a: {  	[sflag:s3] =	ssyncadd.s32 $0xFFFFFE00  }
0x3b: {  	[tilespmem:s6], [sflag:$0x1] =	stream.indirect.gather [hbm4b:s12+s6], $0x80, s2, s6, $0xb8;
	[tilespmem:$0x10200] =	vst v63  }
0x3c: {  	_ =	swait.ge [sflag:s7], $0x10000  }
0x3d: {  	[sflag:s7] =	ssyncset.done $0x0  }
0x3e: {  	[sflag:s7] =	ssyncadd.s32 $0xFFFF0000  }
0x3f: {  	[hbm4b:s13+s9] =	stream.strided.scatter [tilespmem:s6], [sflag:$0x2], $0x10000, s10, s9, $0x38;
	[tilespmem:$0x10200] =	vst v63  }
0x40: {  	_ =	swait.ge [sflag:s3], $0x10000  }
0x41: {  	[sflag:s3] =	ssyncset.done $0x0  }
0x42: {  	[sflag:s3] =	ssyncadd.s32 $0xFFFF0000  }
0x43: {  	[tilespmem:s2], [sflag:$0x2] =	stream.linear.gather [hbm4b:s14+s2], $0x200, $0x38;
	[tilespmem:$0x10200] =	vst v63  }
0x44: {  	_ =	swait.ge [sflag:s3], $0x200  }
0x45: {  	[sflag:s3] =	ssyncset.done $0x0  }
0x46: {  	[sflag:s3] =	ssyncadd.s32 $0xFFFFFE00  }
0x47: {  	[tilespmem:s6], [sflag:$0x1] =	stream.indirect.gather [hbm4b:s15+s6], $0x80, s2, s6, $0xb8;
	[tilespmem:$0x10200] =	vst v63  }
0x48: {  	_ =	swait.ge [sflag:s7], $0x10000  }
.Ltmp1:
0x49: {  	[sflag:s7] =	ssyncset.done $0x0;
	(pc) =	sbr.rel @p0 .LBB2_1-.Ltmp1, $4  }
0x4a: {  	[sflag:s7] =	ssyncadd.s32 $0xFFFF0000  }
0x4b: {  	[hbm4b:s16+s9] =	stream.strided.scatter [tilespmem:s6], [sflag:$0x2], $0x10000, s10, s9, $0x38;
	[tilespmem:$0x10200] =	vst v63  }
0x4c: {  	_ =	swait.ge [sflag:s3], $0x10000  }
0x4d: {  	[sflag:s3] =	ssyncset.done $0x0  }
.LBB2_2:
0x4e: {  	[sflag:s3] =	ssyncadd.s32 $0xFFFF0000  }
0x4f: {  	_ =	sfence.sel $0x180000  }
0x50: {  	[bflag:$0x0] =	sbarrier.arrive $0xFFFF  }
0x51: {  	p0 =	sne.s32 s0, $0x0;
	_ =	strace $0x90000047  }
0x52: {  	s0 =	sadd.s32 @!p0 $0x100000, s1;
	[bflag:$0x2] =	sbarrier.arrive $0xFFFF  }
0x53: {  	[sflag:s0] =	ssyncadd.tile.s32 @!p0 $0x1;
	_ =	shalt  }
.Lfunc_end2:
_tile_overlayer_lowered:
.L_overlay_start_2:
0x54: {  	(tag) =	ssettag $0x2  }
0x55: {  	s0 =	rddreg [dreg:$0x0];
	s2 =	stileid.u32  }
0x56: {  	s1 =	rddreg [dreg:$0x1];
	p0 =	sne.s32 s2, $0x0  }
0x57: {  	s3 =	rddreg [dreg:$0x2];
	[bflag:$0x3] =	sbarrier.arrive $0xFFFF;
	s2 =	simm.s32 @!p0 $0x1C02  }
0x58: {  	[timem:s3], [sflag:s2] =	dma.local @!p0 [hbm:s0], s1  }
0x59: {  	s0 =	simm.s32 @!p0 $0x2  }
0x5a: {  	_ =	swait.ge @!p0 [sflag:s0], s1  }
0x5b: {  	s1 =	ssub.s32 @!p0 $0x0, s1;
	[sflag:s0] =	ssyncset.done @!p0 $0x0  }
0x5c: {  	[sflag:s0] =	ssyncadd.s32 @!p0 s1  }
0x5d: {  	[bflag:$0x3] =	sbarrier.arrive $0xFFFF  }
0x5e: {  	_ =	shalt  }

</sc_bundles>
